<compile_context>
chip_gen: v7x
topology: tpu7x:2x2x1
jax: 0.10.2.dev20260603
libtpu: 0.0.44.dev20260713+nightly
codegen_flags: <defaults>
</compile_context>

<pallas_src>
import functools

import jax
import jax.numpy as jnp
from jax import lax
from jax.experimental import pallas as pl
from jax.experimental.pallas import tpu as pltpu
from jax.experimental.pallas import tpu_sc as plsc

EMBED_DIM = 768
REGION_MAX = 116
NREG_PAD = 128
NW = 32
L = 16
ROUND_C = 12582912.0
BLK = 2048


@functools.lru_cache(maxsize=None)
def _build_rid_kernel(D, H, W, n_pts):
    P = n_pts // NW
    GID = 128
    mesh = plsc.VectorSubcoreMesh(core_axis_name="c", subcore_axis_name="s")

    @functools.partial(
        pl.kernel,
        mesh=mesh,
        out_type=jax.ShapeDtypeStruct((n_pts,), jnp.int32),
        scratch_types=[
            pltpu.VMEM((P,), jnp.float32),
            pltpu.VMEM((P,), jnp.float32),
            pltpu.VMEM((P,), jnp.float32),
            pltpu.VMEM((P,), jnp.int32),
            pltpu.VMEM((P,), jnp.int32),
            pltpu.VMEM((P,), jnp.float32),
            pltpu.VMEM((P,), jnp.int32),
            pltpu.SemaphoreType.DMA,
        ],
    )
    def rid_kernel(coords_hbm, aal_hbm, rid_hbm,
                   x_v, y_v, z_v, idx_v, val_v, reg_v, rid_v, sem_a):
        wid = lax.axis_index("s") * 2 + lax.axis_index("c")
        base = wid * P

        in_copies = [
            pltpu.async_copy(coords_hbm.at[pl.ds(base, P)], x_v, sem_a),
            pltpu.async_copy(coords_hbm.at[pl.ds(n_pts + base, P)], y_v, sem_a),
            pltpu.async_copy(coords_hbm.at[pl.ds(2 * n_pts + base, P)], z_v,
                             sem_a),
        ]
        for cp in in_copies:
            cp.wait()

        def coord_body(i, carry):
            sl = pl.ds(pl.multiple_of(i * L, L), L)
            fx = (x_v[sl] + ROUND_C) - ROUND_C
            fy = (y_v[sl] + ROUND_C) - ROUND_C
            fz = (z_v[sl] + ROUND_C) - ROUND_C
            xi = fx.astype(jnp.int32)
            yi = fy.astype(jnp.int32)
            zi = fz.astype(jnp.int32)
            valid = ((xi >= 0) & (xi < D) & (yi >= 0) & (yi < H)
                     & (zi >= 0) & (zi < W))
            xc = jnp.minimum(jnp.maximum(xi, 0), D - 1)
            yc = jnp.minimum(jnp.maximum(yi, 0), H - 1)
            zc = jnp.minimum(jnp.maximum(zi, 0), W - 1)
            idx_v[sl] = (xc * (H * W) + yc * W + zc)
            val_v[sl] = jnp.where(valid, 1, 0)
            return carry

        lax.fori_loop(0, P // L, coord_body, 0)

        atlas_copies = []
        for j in range(P // GID):
            sl = pl.ds(j * GID, GID)
            atlas_copies.append(
                pltpu.async_copy(aal_hbm.at[idx_v.at[sl]], reg_v.at[sl], sem_a))
        for cp in atlas_copies:
            cp.wait()

        def region_body(i, carry):
            sl = pl.ds(pl.multiple_of(i * L, L), L)
            r = reg_v[sl].astype(jnp.int32)
            ok = (r >= 0) & (r <= REGION_MAX) & (val_v[sl] > 0)
            rid_v[sl] = jnp.where(ok, r, 0)
            return carry

        lax.fori_loop(0, P // L, region_body, 0)
        pltpu.sync_copy(rid_v, rid_hbm.at[pl.ds(base, P)])

    return rid_kernel


def _expand_body(rid_ref, tab_ref, out_ref):
    rid = rid_ref[0, 0, :]
    onehot = (rid[:, None]
              == lax.broadcasted_iota(jnp.int32, (BLK, NREG_PAD), 1))
    out_ref[...] = jnp.dot(onehot.astype(jnp.float32), tab_ref[...],
                           preferred_element_type=jnp.float32)


@functools.lru_cache(maxsize=None)
def _build_expand(n_pts):
    grid = n_pts // BLK
    return pl.pallas_call(
        _expand_body,
        grid=(grid,),
        in_specs=[
            pl.BlockSpec((1, 1, BLK), lambda i: (i, 0, 0)),
            pl.BlockSpec((NREG_PAD, EMBED_DIM), lambda i: (0, 0)),
        ],
        out_specs=pl.BlockSpec((BLK, EMBED_DIM), lambda i: (i, 0)),
        out_shape=jax.ShapeDtypeStruct((n_pts, EMBED_DIM), jnp.float32),
    )


def kernel(patch_centers_voxels, mri_affine, aal_affine, aal_data, region_embed):
    Bb, Nn, _ = patch_centers_voxels.shape
    D, H, W = aal_data.shape
    n_pts = Bb * Nn
    ones = jnp.ones((Bb, Nn, 1), dtype=jnp.float32)
    voxel_homo = jnp.concatenate(
        [patch_centers_voxels.astype(jnp.float32), ones], axis=-1)
    world_coords = jnp.einsum('ij,bnj->bni', mri_affine, voxel_homo)
    inv_aal_affine = jnp.linalg.inv(aal_affine)
    aal_voxel_coords = jnp.einsum('ij,bnj->bni', inv_aal_affine, world_coords)
    coords_t = aal_voxel_coords[..., :3].reshape(n_pts, 3).T.reshape(-1)
    aal_flat = aal_data.astype(jnp.float32).reshape(-1)
    rid = _build_rid_kernel(D, H, W, n_pts)(coords_t, aal_flat)
    tab = jnp.zeros((NREG_PAD, EMBED_DIM), jnp.float32).at[:REGION_MAX + 1].set(
        region_embed.astype(jnp.float32))
    out = _build_expand(n_pts)(rid.reshape(n_pts // BLK, 1, BLK), tab)
    return out.reshape(Bb, Nn, EMBED_DIM)

# --- scband reference (transcript-rebuilt; emitter-appended) ---
"""Pipeline reference for scband-aalpositional-embedding-25975962206426 (READ-ONLY COPY).

The authoritative reference and input builder live on the scoring server;
editing this copy changes nothing except your own understanding.
"""

import jax, jax.numpy as jnp
import numpy as np

EMBED_DIM = 768
REGION_MAX = 116
DEFAULT_REGION_ID = 0
B, N = 8, 4096
D, H, W = 91, 109, 91  # standard AAL atlas grid (MNI 2mm)


def setup_inputs(seed: int = 0) -> dict:
    key = jax.random.key(seed)
    k1, k2, k3 = jax.random.split(key, 3)
    # patch centers in MRI voxel space; scale so most land inside the atlas grid
    patch_centers_voxels = jax.random.uniform(k1, (B, N, 3), dtype=jnp.float32) * 88.0
    # affines: identity-like (MRI already in atlas world space)
    mri_affine = jnp.eye(4, dtype=jnp.float32)
    aal_affine = jnp.eye(4, dtype=jnp.float32)
    # atlas label volume (float per nib get_fdata), labels in [0, region_max]
    aal_data = jax.random.randint(k2, (D, H, W), 0, REGION_MAX + 1).astype(jnp.float32)
    # learned region embedding table [region_max+1, embed_dim]
    region_embed = jax.random.normal(k3, (REGION_MAX + 1, EMBED_DIM), dtype=jnp.float32) * 0.02
    return {
        "patch_centers_voxels": patch_centers_voxels,
        "mri_affine": mri_affine,
        "aal_affine": aal_affine,
        "aal_data": aal_data,
        "region_embed": region_embed,
    }


def reference(patch_centers_voxels, mri_affine, aal_affine, aal_data, region_embed):
    Bb, Nn, _ = patch_centers_voxels.shape
    ones = jnp.ones((Bb, Nn, 1), dtype=jnp.float32)
    voxel_homo = jnp.concatenate([patch_centers_voxels.astype(jnp.float32), ones], axis=-1)
    world_coords = jnp.einsum('ij,bnj->bni', mri_affine, voxel_homo)
    inv_aal_affine = jnp.linalg.inv(aal_affine)
    aal_voxel_coords = jnp.einsum('ij,bnj->bni', inv_aal_affine, world_coords)
    coords = jnp.round(aal_voxel_coords[..., :3]).astype(jnp.int32)
    x, y, z = coords[..., 0], coords[..., 1], coords[..., 2]
    Dd, Hh, Ww = aal_data.shape
    valid = (x >= 0) & (x < Dd) & (y >= 0) & (y < Hh) & (z >= 0) & (z < Ww)
    xc = jnp.clip(x, 0, Dd - 1)
    yc = jnp.clip(y, 0, Hh - 1)
    zc = jnp.clip(z, 0, Ww - 1)
    region = aal_data[xc, yc, zc].astype(jnp.int32)
    region_ok = (region >= 0) & (region <= REGION_MAX)
    region_ids = jnp.where(valid & region_ok, region, DEFAULT_REGION_ID)
    region_embeddings = jnp.take(region_embed, region_ids, axis=0)
    return region_embeddings

if __name__ == "__main__":
    import jax
    _d = setup_inputs()
    print(jax.jit(kernel)(*tuple(_d.values())))

</pallas_src>

<mosaic_0001>
#map = affine_map<(d0, d1) -> (0)>
module attributes {stable_mosaic.version = 14 : i64} {
  func.func @rid_kernel(%arg0: i32, %arg1: i32, %arg2: memref<98304xf32, #tpu.memory_space<hbm>>, %arg3: memref<902629xf32, #tpu.memory_space<hbm>>, %arg4: memref<32768xi32, #tpu.memory_space<hbm>>, %arg5: memref<1024xf32, #tpu.memory_space<vmem>>, %arg6: memref<1024xf32, #tpu.memory_space<vmem>>, %arg7: memref<1024xf32, #tpu.memory_space<vmem>>, %arg8: memref<1024xi32, #tpu.memory_space<vmem>>, %arg9: memref<1024xi32, #tpu.memory_space<vmem>>, %arg10: memref<1024xf32, #tpu.memory_space<vmem>>, %arg11: memref<1024xi32, #tpu.memory_space<vmem>>, %arg12: memref<!tpu.dma_semaphore, #tpu.memory_space<semaphore_mem>>) attributes {dimension_semantics = [#tpu.dimension_semantics<core_parallel>, #tpu.dimension_semantics<subcore_parallel>], iteration_bounds = array<i64: 2, 16>, scalar_prefetch = 0 : i64, scratch_operands = 8 : i64, tpu.core_type = #tpu.core_type<sc_vector_subcore>, window_params = [{transform_indices = #map}, {transform_indices = #map}, {transform_indices = #map}]} {
    %mul3A = arith.constant 2 : i32
    %mul3A_0 = arith.muli %arg1, %mul3A : i32
    %add3A = arith.addi %mul3A_0, %arg0 : i32
    %mul3A_1 = arith.constant 1024 : i32
    %mul3A_2 = arith.muli %add3A, %mul3A_1 : i32
    %dma_start3A = tpu.memref_slice %arg2[%mul3A_2] : memref<98304xf32, #tpu.memory_space<hbm>> -> memref<1024xf32, #tpu.memory_space<hbm>>
    %dma_start3A_3 = tpu.memref_slice %arg2[%mul3A_2] : memref<98304xf32, #tpu.memory_space<hbm>> -> memref<1024xf32, #tpu.memory_space<hbm>>
    tpu.enqueue_dma source(%dma_start3A_3 : memref<1024xf32, #tpu.memory_space<hbm>>) target(%arg5 : memref<1024xf32, #tpu.memory_space<vmem>>) target_semaphore(%arg12 : memref<!tpu.dma_semaphore, #tpu.memory_space<semaphore_mem>>)
    %add3A_4 = arith.constant 32768 : i32
    %add3A_5 = arith.addi %add3A_4, %mul3A_2 : i32
    %dma_start3A_6 = tpu.memref_slice %arg2[%add3A_5] : memref<98304xf32, #tpu.memory_space<hbm>> -> memref<1024xf32, #tpu.memory_space<hbm>>
    %dma_start3A_7 = tpu.memref_slice %arg2[%add3A_5] : memref<98304xf32, #tpu.memory_space<hbm>> -> memref<1024xf32, #tpu.memory_space<hbm>>
    tpu.enqueue_dma source(%dma_start3A_7 : memref<1024xf32, #tpu.memory_space<hbm>>) target(%arg6 : memref<1024xf32, #tpu.memory_space<vmem>>) target_semaphore(%arg12 : memref<!tpu.dma_semaphore, #tpu.memory_space<semaphore_mem>>)
    %add3A_8 = arith.constant 65536 : i32
    %add3A_9 = arith.addi %add3A_8, %mul3A_2 : i32
    %dma_start3A_10 = tpu.memref_slice %arg2[%add3A_9] : memref<98304xf32, #tpu.memory_space<hbm>> -> memref<1024xf32, #tpu.memory_space<hbm>>
    %dma_start3A_11 = tpu.memref_slice %arg2[%add3A_9] : memref<98304xf32, #tpu.memory_space<hbm>> -> memref<1024xf32, #tpu.memory_space<hbm>>
    tpu.enqueue_dma source(%dma_start3A_11 : memref<1024xf32, #tpu.memory_space<hbm>>) target(%arg7 : memref<1024xf32, #tpu.memory_space<vmem>>) target_semaphore(%arg12 : memref<!tpu.dma_semaphore, #tpu.memory_space<semaphore_mem>>)
    %dma_wait3A = tpu.memref_slice %arg2[%mul3A_2] : memref<98304xf32, #tpu.memory_space<hbm>> -> memref<1024xf32, #tpu.memory_space<hbm>>
    %dma_wait3A_12 = tpu.memref_slice %arg2[%mul3A_2] : memref<98304xf32, #tpu.memory_space<hbm>> -> memref<1024xf32, #tpu.memory_space<hbm>>
    tpu.wait_dma2 semaphore(%arg12 : memref<!tpu.dma_semaphore, #tpu.memory_space<semaphore_mem>>) src(%dma_wait3A_12 : memref<1024xf32, #tpu.memory_space<hbm>>) dst(%arg5 : memref<1024xf32, #tpu.memory_space<vmem>>)
    %dma_wait3A_13 = tpu.memref_slice %arg2[%add3A_5] : memref<98304xf32, #tpu.memory_space<hbm>> -> memref<1024xf32, #tpu.memory_space<hbm>>
    %dma_wait3A_14 = tpu.memref_slice %arg2[%add3A_5] : memref<98304xf32, #tpu.memory_space<hbm>> -> memref<1024xf32, #tpu.memory_space<hbm>>
    tpu.wait_dma2 semaphore(%arg12 : memref<!tpu.dma_semaphore, #tpu.memory_space<semaphore_mem>>) src(%dma_wait3A_14 : memref<1024xf32, #tpu.memory_space<hbm>>) dst(%arg6 : memref<1024xf32, #tpu.memory_space<vmem>>)
    %dma_wait3A_15 = tpu.memref_slice %arg2[%add3A_9] : memref<98304xf32, #tpu.memory_space<hbm>> -> memref<1024xf32, #tpu.memory_space<hbm>>
    %dma_wait3A_16 = tpu.memref_slice %arg2[%add3A_9] : memref<98304xf32, #tpu.memory_space<hbm>> -> memref<1024xf32, #tpu.memory_space<hbm>>
    tpu.wait_dma2 semaphore(%arg12 : memref<!tpu.dma_semaphore, #tpu.memory_space<semaphore_mem>>) src(%dma_wait3A_16 : memref<1024xf32, #tpu.memory_space<hbm>>) dst(%arg7 : memref<1024xf32, #tpu.memory_space<vmem>>)
    %scan3A = arith.constant 0 : i32
    %scan3A_17 = arith.constant 0 : i32
    %scan3A_18 = arith.constant 64 : i32
    %scan3A_19 = arith.addi %scan3A_17, %scan3A_18 : i32
    %scan3A_20 = arith.constant 1 : i32
    scf.for %scan3A_124 = %scan3A_17 to %scan3A_19 step %scan3A_20  : i32 {
      %mul3A_125 = arith.constant 16 : i32
      %mul3A_126 = arith.muli %scan3A_124, %mul3A_125 : i32
      %multiple_of3A = tpu.assume_multiple %mul3A_126, 16 : i32
      %get3A = arith.index_cast %multiple_of3A : i32 to index
      %get3A_127 = tpu.vector_load %arg5[%get3A] {strides = array<i32>} : memref<1024xf32, #tpu.memory_space<vmem>>, vector<16xf32>,
      %get3A_128 = vector.shape_cast %get3A_127 : vector<16xf32> to vector<16xf32>
      %add3A_129 = arith.constant 0x4B400000 : f32
      %add3A_130 = vector.broadcast %add3A_129 : f32 to vector<16xf32>
      %add3A_131 = arith.addf %get3A_128, %add3A_130 : vector<16xf32>
      %sub3A = arith.constant 0x4B400000 : f32
      %sub3A_132 = vector.broadcast %sub3A : f32 to vector<16xf32>
      %sub3A_133 = arith.subf %add3A_131, %sub3A_132 : vector<16xf32>
      %get3A_134 = arith.index_cast %multiple_of3A : i32 to index
      %get3A_135 = tpu.vector_load %arg6[%get3A_134] {strides = array<i32>} : memref<1024xf32, #tpu.memory_space<vmem>>, vector<16xf32>,
      %get3A_136 = vector.shape_cast %get3A_135 : vector<16xf32> to vector<16xf32>
      %add3A_137 = arith.constant 0x4B400000 : f32
      %add3A_138 = vector.broadcast %add3A_137 : f32 to vector<16xf32>
      %add3A_139 = arith.addf %get3A_136, %add3A_138 : vector<16xf32>
      %sub3A_140 = arith.constant 0x4B400000 : f32
      %sub3A_141 = vector.broadcast %sub3A_140 : f32 to vector<16xf32>
      %sub3A_142 = arith.subf %add3A_139, %sub3A_141 : vector<16xf32>
      %get3A_143 = arith.index_cast %multiple_of3A : i32 to index
      %get3A_144 = tpu.vector_load %arg7[%get3A_143] {strides = array<i32>} : memref<1024xf32, #tpu.memory_space<vmem>>, vector<16xf32>,
      %get3A_145 = vector.shape_cast %get3A_144 : vector<16xf32> to vector<16xf32>
      %add3A_146 = arith.constant 0x4B400000 : f32
      %add3A_147 = vector.broadcast %add3A_146 : f32 to vector<16xf32>
      %add3A_148 = arith.addf %get3A_145, %add3A_147 : vector<16xf32>
      %sub3A_149 = arith.constant 0x4B400000 : f32
      %sub3A_150 = vector.broadcast %sub3A_149 : f32 to vector<16xf32>
      %sub3A_151 = arith.subf %add3A_148, %sub3A_150 : vector<16xf32>
      %convert_element_type3A = arith.fptosi %sub3A_133 : vector<16xf32> to vector<16xi32>
      %convert_element_type3A_152 = arith.fptosi %sub3A_142 : vector<16xf32> to vector<16xi32>
      %convert_element_type3A_153 = arith.fptosi %sub3A_151 : vector<16xf32> to vector<16xi32>
      %ge3A = arith.constant 0 : i32
      %ge3A_154 = vector.broadcast %ge3A : i32 to vector<16xi32>
      %ge3A_155 = arith.cmpi sge, %convert_element_type3A, %ge3A_154 : vector<16xi32>
      %lt3A = arith.constant 91 : i32
      %lt3A_156 = vector.broadcast %lt3A : i32 to vector<16xi32>
      %lt3A_157 = arith.cmpi slt, %convert_element_type3A, %lt3A_156 : vector<16xi32>
      %and3A = arith.andi %ge3A_155, %lt3A_157 : vector<16xi1>
      %ge3A_158 = arith.constant 0 : i32
      %ge3A_159 = vector.broadcast %ge3A_158 : i32 to vector<16xi32>
      %ge3A_160 = arith.cmpi sge, %convert_element_type3A_152, %ge3A_159 : vector<16xi32>
      %and3A_161 = arith.andi %and3A, %ge3A_160 : vector<16xi1>
      %lt3A_162 = arith.constant 109 : i32
      %lt3A_163 = vector.broadcast %lt3A_162 : i32 to vector<16xi32>
      %lt3A_164 = arith.cmpi slt, %convert_element_type3A_152, %lt3A_163 : vector<16xi32>
      %and3A_165 = arith.andi %and3A_161, %lt3A_164 : vector<16xi1>
      %ge3A_166 = arith.constant 0 : i32
      %ge3A_167 = vector.broadcast %ge3A_166 : i32 to vector<16xi32>
      %ge3A_168 = arith.cmpi sge, %convert_element_type3A_153, %ge3A_167 : vector<16xi32>
      %and3A_169 = arith.andi %and3A_165, %ge3A_168 : vector<16xi1>
      %lt3A_170 = arith.constant 91 : i32
      %lt3A_171 = vector.broadcast %lt3A_170 : i32 to vector<16xi32>
      %lt3A_172 = arith.cmpi slt, %convert_element_type3A_153, %lt3A_171 : vector<16xi32>
      %and3A_173 = arith.andi %and3A_169, %lt3A_172 : vector<16xi1>
      %max3A = arith.constant 0 : i32
      %max3A_174 = vector.broadcast %max3A : i32 to vector<16xi32>
      %max3A_175 = arith.maxsi %convert_element_type3A, %max3A_174 : vector<16xi32>
      %min3A = arith.constant 90 : i32
      %min3A_176 = vector.broadcast %min3A : i32 to vector<16xi32>
      %min3A_177 = arith.minsi %max3A_175, %min3A_176 : vector<16xi32>
      %max3A_178 = arith.constant 0 : i32
      %max3A_179 = vector.broadcast %max3A_178 : i32 to vector<16xi32>
      %max3A_180 = arith.maxsi %convert_element_type3A_152, %max3A_179 : vector<16xi32>
      %min3A_181 = arith.constant 108 : i32
      %min3A_182 = vector.broadcast %min3A_181 : i32 to vector<16xi32>
      %min3A_183 = arith.minsi %max3A_180, %min3A_182 : vector<16xi32>
      %max3A_184 = arith.constant 0 : i32
      %max3A_185 = vector.broadcast %max3A_184 : i32 to vector<16xi32>
      %max3A_186 = arith.maxsi %convert_element_type3A_153, %max3A_185 : vector<16xi32>
      %min3A_187 = arith.constant 90 : i32
      %min3A_188 = vector.broadcast %min3A_187 : i32 to vector<16xi32>
      %min3A_189 = arith.minsi %max3A_186, %min3A_188 : vector<16xi32>
      %mul3A_190 = arith.constant 9919 : i32
      %mul3A_191 = vector.broadcast %mul3A_190 : i32 to vector<16xi32>
      %mul3A_192 = arith.muli %min3A_177, %mul3A_191 : vector<16xi32>
      %mul3A_193 = arith.constant 91 : i32
      %mul3A_194 = vector.broadcast %mul3A_193 : i32 to vector<16xi32>
      %mul3A_195 = arith.muli %min3A_183, %mul3A_194 : vector<16xi32>
      %add3A_196 = arith.addi %mul3A_192, %mul3A_195 : vector<16xi32>
      %add3A_197 = arith.addi %add3A_196, %min3A_189 : vector<16xi32>
      %swap3A = arith.index_cast %multiple_of3A : i32 to index
      %swap3A_198 = tpu.vector_load %arg8[%swap3A] {strides = array<i32>} : memref<1024xi32, #tpu.memory_space<vmem>>, vector<16xi32>,
      %swap3A_199 = vector.shape_cast %swap3A_198 : vector<16xi32> to vector<16xi32>
      %swap3A_200 = vector.shape_cast %add3A_197 : vector<16xi32> to vector<16xi32>
      tpu.vector_store %arg8[%swap3A], %swap3A_200 {strides = array<i32>} : memref<1024xi32, #tpu.memory_space<vmem>>, vector<16xi32>,
      %jit3A = arith.constant 1 : i32
      %jit3A_201 = arith.constant 0 : i32
      %broadcast_in_dim3A = vector.broadcast %jit3A : i32 to vector<16xi32>
      %broadcast_in_dim3A_202 = vector.broadcast %jit3A_201 : i32 to vector<16xi32>
      %select_n3A = arith.select %and3A_173, %broadcast_in_dim3A, %broadcast_in_dim3A_202 : vector<16xi1>, vector<16xi32>
      %swap3A_203 = arith.index_cast %multiple_of3A : i32 to index
      %swap3A_204 = tpu.vector_load %arg9[%swap3A_203] {strides = array<i32>} : memref<1024xi32, #tpu.memory_space<vmem>>, vector<16xi32>,
      %swap3A_205 = vector.shape_cast %swap3A_204 : vector<16xi32> to vector<16xi32>
      %swap3A_206 = vector.shape_cast %select_n3A : vector<16xi32> to vector<16xi32>
      tpu.vector_store %arg9[%swap3A_203], %swap3A_206 {strides = array<i32>} : memref<1024xi32, #tpu.memory_space<vmem>>, vector<16xi32>,
    }
    %scan3A_21 = arith.constant 64 : i32
    %dma_start3A_22 = arith.constant 0 : i32
    %dma_start3A_23 = tpu.memref_slice %arg10[%dma_start3A_22] : memref<1024xf32, #tpu.memory_space<vmem>> -> memref<128xf32, #tpu.memory_space<vmem>>
    %dma_start3A_24 = arith.constant 0 : i32
    %dma_start3A_25 = tpu.memref_slice %arg8[%dma_start3A_24] : memref<1024xi32, #tpu.memory_space<vmem>> -> memref<128xi32, #tpu.memory_space<vmem>>
    %dma_start3A_26 = arith.constant 0 : i32
    %dma_start3A_27 = tpu.memref_slice %arg3[%dma_start3A_26] : memref<902629xf32, #tpu.memory_space<hbm>> -> memref<902629xf32, #tpu.memory_space<hbm>>
    tpu.enqueue_indirect_dma source(%dma_start3A_27 : memref<902629xf32, #tpu.memory_space<hbm>>) target(%dma_start3A_23 : memref<128xf32, #tpu.memory_space<vmem>>) offsets(%dma_start3A_25 : memref<128xi32, #tpu.memory_space<vmem>>) semaphore(%arg12 : memref<!tpu.dma_semaphore, #tpu.memory_space<semaphore_mem>>)
    %dma_start3A_28 = arith.constant 128 : i32
    %dma_start3A_29 = tpu.memref_slice %arg10[%dma_start3A_28] : memref<1024xf32, #tpu.memory_space<vmem>> -> memref<128xf32, #tpu.memory_space<vmem>>
    %dma_start3A_30 = arith.constant 128 : i32
    %dma_start3A_31 = tpu.memref_slice %arg8[%dma_start3A_30] : memref<1024xi32, #tpu.memory_space<vmem>> -> memref<128xi32, #tpu.memory_space<vmem>>
    %dma_start3A_32 = arith.constant 0 : i32
    %dma_start3A_33 = tpu.memref_slice %arg3[%dma_start3A_32] : memref<902629xf32, #tpu.memory_space<hbm>> -> memref<902629xf32, #tpu.memory_space<hbm>>
    tpu.enqueue_indirect_dma source(%dma_start3A_33 : memref<902629xf32, #tpu.memory_space<hbm>>) target(%dma_start3A_29 : memref<128xf32, #tpu.memory_space<vmem>>) offsets(%dma_start3A_31 : memref<128xi32, #tpu.memory_space<vmem>>) semaphore(%arg12 : memref<!tpu.dma_semaphore, #tpu.memory_space<semaphore_mem>>)
    %dma_start3A_34 = arith.constant 256 : i32
    %dma_start3A_35 = tpu.memref_slice %arg10[%dma_start3A_34] : memref<1024xf32, #tpu.memory_space<vmem>> -> memref<128xf32, #tpu.memory_space<vmem>>
    %dma_start3A_36 = arith.constant 256 : i32
    %dma_start3A_37 = tpu.memref_slice %arg8[%dma_start3A_36] : memref<1024xi32, #tpu.memory_space<vmem>> -> memref<128xi32, #tpu.memory_space<vmem>>
    %dma_start3A_38 = arith.constant 0 : i32
    %dma_start3A_39 = tpu.memref_slice %arg3[%dma_start3A_38] : memref<902629xf32, #tpu.memory_space<hbm>> -> memref<902629xf32, #tpu.memory_space<hbm>>
    tpu.enqueue_indirect_dma source(%dma_start3A_39 : memref<902629xf32, #tpu.memory_space<hbm>>) target(%dma_start3A_35 : memref<128xf32, #tpu.memory_space<vmem>>) offsets(%dma_start3A_37 : memref<128xi32, #tpu.memory_space<vmem>>) semaphore(%arg12 : memref<!tpu.dma_semaphore, #tpu.memory_space<semaphore_mem>>)
    %dma_start3A_40 = arith.constant 384 : i32
    %dma_start3A_41 = tpu.memref_slice %arg10[%dma_start3A_40] : memref<1024xf32, #tpu.memory_space<vmem>> -> memref<128xf32, #tpu.memory_space<vmem>>
    %dma_start3A_42 = arith.constant 384 : i32
    %dma_start3A_43 = tpu.memref_slice %arg8[%dma_start3A_42] : memref<1024xi32, #tpu.memory_space<vmem>> -> memref<128xi32, #tpu.memory_space<vmem>>
    %dma_start3A_44 = arith.constant 0 : i32
    %dma_start3A_45 = tpu.memref_slice %arg3[%dma_start3A_44] : memref<902629xf32, #tpu.memory_space<hbm>> -> memref<902629xf32, #tpu.memory_space<hbm>>
    tpu.enqueue_indirect_dma source(%dma_start3A_45 : memref<902629xf32, #tpu.memory_space<hbm>>) target(%dma_start3A_41 : memref<128xf32, #tpu.memory_space<vmem>>) offsets(%dma_start3A_43 : memref<128xi32, #tpu.memory_space<vmem>>) semaphore(%arg12 : memref<!tpu.dma_semaphore, #tpu.memory_space<semaphore_mem>>)
    %dma_start3A_46 = arith.constant 512 : i32
    %dma_start3A_47 = tpu.memref_slice %arg10[%dma_start3A_46] : memref<1024xf32, #tpu.memory_space<vmem>> -> memref<128xf32, #tpu.memory_space<vmem>>
    %dma_start3A_48 = arith.constant 512 : i32
    %dma_start3A_49 = tpu.memref_slice %arg8[%dma_start3A_48] : memref<1024xi32, #tpu.memory_space<vmem>> -> memref<128xi32, #tpu.memory_space<vmem>>
    %dma_start3A_50 = arith.constant 0 : i32
    %dma_start3A_51 = tpu.memref_slice %arg3[%dma_start3A_50] : memref<902629xf32, #tpu.memory_space<hbm>> -> memref<902629xf32, #tpu.memory_space<hbm>>
    tpu.enqueue_indirect_dma source(%dma_start3A_51 : memref<902629xf32, #tpu.memory_space<hbm>>) target(%dma_start3A_47 : memref<128xf32, #tpu.memory_space<vmem>>) offsets(%dma_start3A_49 : memref<128xi32, #tpu.memory_space<vmem>>) semaphore(%arg12 : memref<!tpu.dma_semaphore, #tpu.memory_space<semaphore_mem>>)
    %dma_start3A_52 = arith.constant 640 : i32
    %dma_start3A_53 = tpu.memref_slice %arg10[%dma_start3A_52] : memref<1024xf32, #tpu.memory_space<vmem>> -> memref<128xf32, #tpu.memory_space<vmem>>
    %dma_start3A_54 = arith.constant 640 : i32
    %dma_start3A_55 = tpu.memref_slice %arg8[%dma_start3A_54] : memref<1024xi32, #tpu.memory_space<vmem>> -> memref<128xi32, #tpu.memory_space<vmem>>
    %dma_start3A_56 = arith.constant 0 : i32
    %dma_start3A_57 = tpu.memref_slice %arg3[%dma_start3A_56] : memref<902629xf32, #tpu.memory_space<hbm>> -> memref<902629xf32, #tpu.memory_space<hbm>>
    tpu.enqueue_indirect_dma source(%dma_start3A_57 : memref<902629xf32, #tpu.memory_space<hbm>>) target(%dma_start3A_53 : memref<128xf32, #tpu.memory_space<vmem>>) offsets(%dma_start3A_55 : memref<128xi32, #tpu.memory_space<vmem>>) semaphore(%arg12 : memref<!tpu.dma_semaphore, #tpu.memory_space<semaphore_mem>>)
    %dma_start3A_58 = arith.constant 768 : i32
    %dma_start3A_59 = tpu.memref_slice %arg10[%dma_start3A_58] : memref<1024xf32, #tpu.memory_space<vmem>> -> memref<128xf32, #tpu.memory_space<vmem>>
    %dma_start3A_60 = arith.constant 768 : i32
    %dma_start3A_61 = tpu.memref_slice %arg8[%dma_start3A_60] : memref<1024xi32, #tpu.memory_space<vmem>> -> memref<128xi32, #tpu.memory_space<vmem>>
    %dma_start3A_62 = arith.constant 0 : i32
    %dma_start3A_63 = tpu.memref_slice %arg3[%dma_start3A_62] : memref<902629xf32, #tpu.memory_space<hbm>> -> memref<902629xf32, #tpu.memory_space<hbm>>
    tpu.enqueue_indirect_dma source(%dma_start3A_63 : memref<902629xf32, #tpu.memory_space<hbm>>) target(%dma_start3A_59 : memref<128xf32, #tpu.memory_space<vmem>>) offsets(%dma_start3A_61 : memref<128xi32, #tpu.memory_space<vmem>>) semaphore(%arg12 : memref<!tpu.dma_semaphore, #tpu.memory_space<semaphore_mem>>)
    %dma_start3A_64 = arith.constant 896 : i32
    %dma_start3A_65 = tpu.memref_slice %arg10[%dma_start3A_64] : memref<1024xf32, #tpu.memory_space<vmem>> -> memref<128xf32, #tpu.memory_space<vmem>>
    %dma_start3A_66 = arith.constant 896 : i32
    %dma_start3A_67 = tpu.memref_slice %arg8[%dma_start3A_66] : memref<1024xi32, #tpu.memory_space<vmem>> -> memref<128xi32, #tpu.memory_space<vmem>>
    %dma_start3A_68 = arith.constant 0 : i32
    %dma_start3A_69 = tpu.memref_slice %arg3[%dma_start3A_68] : memref<902629xf32, #tpu.memory_space<hbm>> -> memref<902629xf32, #tpu.memory_space<hbm>>
    tpu.enqueue_indirect_dma source(%dma_start3A_69 : memref<902629xf32, #tpu.memory_space<hbm>>) target(%dma_start3A_65 : memref<128xf32, #tpu.memory_space<vmem>>) offsets(%dma_start3A_67 : memref<128xi32, #tpu.memory_space<vmem>>) semaphore(%arg12 : memref<!tpu.dma_semaphore, #tpu.memory_space<semaphore_mem>>)
    %dma_wait3A_70 = arith.constant 0 : i32
    %dma_wait3A_71 = tpu.memref_slice %arg10[%dma_wait3A_70] : memref<1024xf32, #tpu.memory_space<vmem>> -> memref<128xf32, #tpu.memory_space<vmem>>
    %dma_wait3A_72 = arith.constant 0 : i32
    %dma_wait3A_73 = tpu.memref_slice %arg8[%dma_wait3A_72] : memref<1024xi32, #tpu.memory_space<vmem>> -> memref<128xi32, #tpu.memory_space<vmem>>
    %dma_wait3A_74 = arith.constant 0 : i32
    %dma_wait3A_75 = tpu.memref_slice %arg3[%dma_wait3A_74] : memref<902629xf32, #tpu.memory_space<hbm>> -> memref<902629xf32, #tpu.memory_space<hbm>>
    tpu.wait_indirect_dma semaphore(%arg12 : memref<!tpu.dma_semaphore, #tpu.memory_space<semaphore_mem>>) src(%dma_wait3A_75 : memref<902629xf32, #tpu.memory_space<hbm>>) dst(%dma_wait3A_71 : memref<128xf32, #tpu.memory_space<vmem>>)
    %dma_wait3A_76 = arith.constant 128 : i32
    %dma_wait3A_77 = tpu.memref_slice %arg10[%dma_wait3A_76] : memref<1024xf32, #tpu.memory_space<vmem>> -> memref<128xf32, #tpu.memory_space<vmem>>
    %dma_wait3A_78 = arith.constant 128 : i32
    %dma_wait3A_79 = tpu.memref_slice %arg8[%dma_wait3A_78] : memref<1024xi32, #tpu.memory_space<vmem>> -> memref<128xi32, #tpu.memory_space<vmem>>
    %dma_wait3A_80 = arith.constant 0 : i32
    %dma_wait3A_81 = tpu.memref_slice %arg3[%dma_wait3A_80] : memref<902629xf32, #tpu.memory_space<hbm>> -> memref<902629xf32, #tpu.memory_space<hbm>>
    tpu.wait_indirect_dma semaphore(%arg12 : memref<!tpu.dma_semaphore, #tpu.memory_space<semaphore_mem>>) src(%dma_wait3A_81 : memref<902629xf32, #tpu.memory_space<hbm>>) dst(%dma_wait3A_77 : memref<128xf32, #tpu.memory_space<vmem>>)
    %dma_wait3A_82 = arith.constant 256 : i32
    %dma_wait3A_83 = tpu.memref_slice %arg10[%dma_wait3A_82] : memref<1024xf32, #tpu.memory_space<vmem>> -> memref<128xf32, #tpu.memory_space<vmem>>
    %dma_wait3A_84 = arith.constant 256 : i32
    %dma_wait3A_85 = tpu.memref_slice %arg8[%dma_wait3A_84] : memref<1024xi32, #tpu.memory_space<vmem>> -> memref<128xi32, #tpu.memory_space<vmem>>
    %dma_wait3A_86 = arith.constant 0 : i32
    %dma_wait3A_87 = tpu.memref_slice %arg3[%dma_wait3A_86] : memref<902629xf32, #tpu.memory_space<hbm>> -> memref<902629xf32, #tpu.memory_space<hbm>>
    tpu.wait_indirect_dma semaphore(%arg12 : memref<!tpu.dma_semaphore, #tpu.memory_space<semaphore_mem>>) src(%dma_wait3A_87 : memref<902629xf32, #tpu.memory_space<hbm>>) dst(%dma_wait3A_83 : memref<128xf32, #tpu.memory_space<vmem>>)
    %dma_wait3A_88 = arith.constant 384 : i32
    %dma_wait3A_89 = tpu.memref_slice %arg10[%dma_wait3A_88] : memref<1024xf32, #tpu.memory_space<vmem>> -> memref<128xf32, #tpu.memory_space<vmem>>
    %dma_wait3A_90 = arith.constant 384 : i32
    %dma_wait3A_91 = tpu.memref_slice %arg8[%dma_wait3A_90] : memref<1024xi32, #tpu.memory_space<vmem>> -> memref<128xi32, #tpu.memory_space<vmem>>
    %dma_wait3A_92 = arith.constant 0 : i32
    %dma_wait3A_93 = tpu.memref_slice %arg3[%dma_wait3A_92] : memref<902629xf32, #tpu.memory_space<hbm>> -> memref<902629xf32, #tpu.memory_space<hbm>>
    tpu.wait_indirect_dma semaphore(%arg12 : memref<!tpu.dma_semaphore, #tpu.memory_space<semaphore_mem>>) src(%dma_wait3A_93 : memref<902629xf32, #tpu.memory_space<hbm>>) dst(%dma_wait3A_89 : memref<128xf32, #tpu.memory_space<vmem>>)
    %dma_wait3A_94 = arith.constant 512 : i32
    %dma_wait3A_95 = tpu.memref_slice %arg10[%dma_wait3A_94] : memref<1024xf32, #tpu.memory_space<vmem>> -> memref<128xf32, #tpu.memory_space<vmem>>
    %dma_wait3A_96 = arith.constant 512 : i32
    %dma_wait3A_97 = tpu.memref_slice %arg8[%dma_wait3A_96] : memref<1024xi32, #tpu.memory_space<vmem>> -> memref<128xi32, #tpu.memory_space<vmem>>
    %dma_wait3A_98 = arith.constant 0 : i32
    %dma_wait3A_99 = tpu.memref_slice %arg3[%dma_wait3A_98] : memref<902629xf32, #tpu.memory_space<hbm>> -> memref<902629xf32, #tpu.memory_space<hbm>>
    tpu.wait_indirect_dma semaphore(%arg12 : memref<!tpu.dma_semaphore, #tpu.memory_space<semaphore_mem>>) src(%dma_wait3A_99 : memref<902629xf32, #tpu.memory_space<hbm>>) dst(%dma_wait3A_95 : memref<128xf32, #tpu.memory_space<vmem>>)
    %dma_wait3A_100 = arith.constant 640 : i32
    %dma_wait3A_101 = tpu.memref_slice %arg10[%dma_wait3A_100] : memref<1024xf32, #tpu.memory_space<vmem>> -> memref<128xf32, #tpu.memory_space<vmem>>
    %dma_wait3A_102 = arith.constant 640 : i32
    %dma_wait3A_103 = tpu.memref_slice %arg8[%dma_wait3A_102] : memref<1024xi32, #tpu.memory_space<vmem>> -> memref<128xi32, #tpu.memory_space<vmem>>
    %dma_wait3A_104 = arith.constant 0 : i32
    %dma_wait3A_105 = tpu.memref_slice %arg3[%dma_wait3A_104] : memref<902629xf32, #tpu.memory_space<hbm>> -> memref<902629xf32, #tpu.memory_space<hbm>>
    tpu.wait_indirect_dma semaphore(%arg12 : memref<!tpu.dma_semaphore, #tpu.memory_space<semaphore_mem>>) src(%dma_wait3A_105 : memref<902629xf32, #tpu.memory_space<hbm>>) dst(%dma_wait3A_101 : memref<128xf32, #tpu.memory_space<vmem>>)
    %dma_wait3A_106 = arith.constant 768 : i32
    %dma_wait3A_107 = tpu.memref_slice %arg10[%dma_wait3A_106] : memref<1024xf32, #tpu.memory_space<vmem>> -> memref<128xf32, #tpu.memory_space<vmem>>
    %dma_wait3A_108 = arith.constant 768 : i32
    %dma_wait3A_109 = tpu.memref_slice %arg8[%dma_wait3A_108] : memref<1024xi32, #tpu.memory_space<vmem>> -> memref<128xi32, #tpu.memory_space<vmem>>
    %dma_wait3A_110 = arith.constant 0 : i32
    %dma_wait3A_111 = tpu.memref_slice %arg3[%dma_wait3A_110] : memref<902629xf32, #tpu.memory_space<hbm>> -> memref<902629xf32, #tpu.memory_space<hbm>>
    tpu.wait_indirect_dma semaphore(%arg12 : memref<!tpu.dma_semaphore, #tpu.memory_space<semaphore_mem>>) src(%dma_wait3A_111 : memref<902629xf32, #tpu.memory_space<hbm>>) dst(%dma_wait3A_107 : memref<128xf32, #tpu.memory_space<vmem>>)
    %dma_wait3A_112 = arith.constant 896 : i32
    %dma_wait3A_113 = tpu.memref_slice %arg10[%dma_wait3A_112] : memref<1024xf32, #tpu.memory_space<vmem>> -> memref<128xf32, #tpu.memory_space<vmem>>
    %dma_wait3A_114 = arith.constant 896 : i32
    %dma_wait3A_115 = tpu.memref_slice %arg8[%dma_wait3A_114] : memref<1024xi32, #tpu.memory_space<vmem>> -> memref<128xi32, #tpu.memory_space<vmem>>
    %dma_wait3A_116 = arith.constant 0 : i32
    %dma_wait3A_117 = tpu.memref_slice %arg3[%dma_wait3A_116] : memref<902629xf32, #tpu.memory_space<hbm>> -> memref<902629xf32, #tpu.memory_space<hbm>>
    tpu.wait_indirect_dma semaphore(%arg12 : memref<!tpu.dma_semaphore, #tpu.memory_space<semaphore_mem>>) src(%dma_wait3A_117 : memref<902629xf32, #tpu.memory_space<hbm>>) dst(%dma_wait3A_113 : memref<128xf32, #tpu.memory_space<vmem>>)
    %scan3A_118 = arith.constant 0 : i32
    %scan3A_119 = arith.constant 0 : i32
    %scan3A_120 = arith.constant 64 : i32
    %scan3A_121 = arith.addi %scan3A_119, %scan3A_120 : i32
    %scan3A_122 = arith.constant 1 : i32
    scf.for %scan3A_124 = %scan3A_119 to %scan3A_121 step %scan3A_122  : i32 {
      %mul3A_125 = arith.constant 16 : i32
      %mul3A_126 = arith.muli %scan3A_124, %mul3A_125 : i32
      %multiple_of3A = tpu.assume_multiple %mul3A_126, 16 : i32
      %get3A = arith.index_cast %multiple_of3A : i32 to index
      %get3A_127 = tpu.vector_load %arg10[%get3A] {strides = array<i32>} : memref<1024xf32, #tpu.memory_space<vmem>>, vector<16xf32>,
      %get3A_128 = vector.shape_cast %get3A_127 : vector<16xf32> to vector<16xf32>
      %convert_element_type3A = arith.fptosi %get3A_128 : vector<16xf32> to vector<16xi32>
      %ge3A = arith.constant 0 : i32
      %ge3A_129 = vector.broadcast %ge3A : i32 to vector<16xi32>
      %ge3A_130 = arith.cmpi sge, %convert_element_type3A, %ge3A_129 : vector<16xi32>
      %le3A = arith.constant 116 : i32
      %le3A_131 = vector.broadcast %le3A : i32 to vector<16xi32>
      %le3A_132 = arith.cmpi sle, %convert_element_type3A, %le3A_131 : vector<16xi32>
      %and3A = arith.andi %ge3A_130, %le3A_132 : vector<16xi1>
      %get3A_133 = arith.index_cast %multiple_of3A : i32 to index
      %get3A_134 = tpu.vector_load %arg9[%get3A_133] {strides = array<i32>} : memref<1024xi32, #tpu.memory_space<vmem>>, vector<16xi32>,
      %get3A_135 = vector.shape_cast %get3A_134 : vector<16xi32> to vector<16xi32>
      %gt3A = arith.constant 0 : i32
      %gt3A_136 = vector.broadcast %gt3A : i32 to vector<16xi32>
      %gt3A_137 = arith.cmpi sgt, %get3A_135, %gt3A_136 : vector<16xi32>
      %and3A_138 = arith.andi %and3A, %gt3A_137 : vector<16xi1>
      %jit3A = arith.constant 0 : i32
      %broadcast_in_dim3A = vector.broadcast %jit3A : i32 to vector<16xi32>
      %select_n3A = arith.select %and3A_138, %convert_element_type3A, %broadcast_in_dim3A : vector<16xi1>, vector<16xi32>
      %swap3A = arith.index_cast %multiple_of3A : i32 to index
      %swap3A_139 = tpu.vector_load %arg11[%swap3A] {strides = array<i32>} : memref<1024xi32, #tpu.memory_space<vmem>>, vector<16xi32>,
      %swap3A_140 = vector.shape_cast %swap3A_139 : vector<16xi32> to vector<16xi32>
      %swap3A_141 = vector.shape_cast %select_n3A : vector<16xi32> to vector<16xi32>
      tpu.vector_store %arg11[%swap3A], %swap3A_141 {strides = array<i32>} : memref<1024xi32, #tpu.memory_space<vmem>>, vector<16xi32>,
    }
    %scan3A_123 = arith.constant 64 : i32
    "tpu.region"() ({
      %run_scoped3A = tpu.sem_alloc : memref<!tpu.dma_semaphore, #tpu.memory_space<semaphore_mem>>
      %dma_start3A_124 = tpu.memref_slice %arg4[%mul3A_2] : memref<32768xi32, #tpu.memory_space<hbm>> -> memref<1024xi32, #tpu.memory_space<hbm>>
      %dma_start3A_125 = tpu.memref_slice %arg4[%mul3A_2] : memref<32768xi32, #tpu.memory_space<hbm>> -> memref<1024xi32, #tpu.memory_space<hbm>>
      tpu.enqueue_dma source(%arg11 : memref<1024xi32, #tpu.memory_space<vmem>>) target(%dma_start3A_125 : memref<1024xi32, #tpu.memory_space<hbm>>) target_semaphore(%run_scoped3A : memref<!tpu.dma_semaphore, #tpu.memory_space<semaphore_mem>>)
      %dma_wait3A_126 = tpu.memref_slice %arg4[%mul3A_2] : memref<32768xi32, #tpu.memory_space<hbm>> -> memref<1024xi32, #tpu.memory_space<hbm>>
      %dma_wait3A_127 = tpu.memref_slice %arg4[%mul3A_2] : memref<32768xi32, #tpu.memory_space<hbm>> -> memref<1024xi32, #tpu.memory_space<hbm>>
      tpu.wait_dma2 semaphore(%run_scoped3A : memref<!tpu.dma_semaphore, #tpu.memory_space<semaphore_mem>>) src(%arg11 : memref<1024xi32, #tpu.memory_space<vmem>>) dst(%dma_wait3A_127 : memref<1024xi32, #tpu.memory_space<hbm>>)
      tpu.yield
    }) : () -> ()
    return
  }
}

module attributes {stable_mosaic.version = 14 : i64} {
  func.func @_expand_body(%arg0: i32, %arg1: memref<1x1x2048xi32, #tpu.memory_space<vmem>>, %arg2: memref<128x768xf32, #tpu.memory_space<vmem>>, %arg3: memref<2048x768xf32, #tpu.memory_space<vmem>>) attributes {dimension_semantics = [#tpu.dimension_semantics<arbitrary>], iteration_bounds = array<i64: 16>, scalar_prefetch = 0 : i64, scratch_operands = 0 : i64, tpu.core_type = #tpu.core_type<tc>, window_params = [{transform_indices = @transform_0, window_bounds = array<i64: 1, 1, 2048>}, {pipeline_mode = #tpu.pipeline_mode<synchronous>, transform_indices = @transform_1, window_bounds = array<i64: 128, 768>}, {transform_indices = @transform_2, window_bounds = array<i64: 2048, 768>}]} {
    %get3A = arith.constant 0 : index
    %get3A_0 = arith.constant 0 : index
    %get3A_1 = arith.constant 0 : index
    %get3A_2 = vector.load %arg1[%get3A, %get3A_0, %get3A_1] : memref<1x1x2048xi32, #tpu.memory_space<vmem>>, vector<1x1x2048xi32>
    %get3A_3 = vector.shape_cast %get3A_2 : vector<1x1x2048xi32> to vector<2048xi32>
    %broadcast_in_dim3A = vector.shape_cast %get3A_3 : vector<2048xi32> to vector<2048x1xi32>
    %iota3A = tpu.iota {dimensions = array<i32: 1>} : vector<2048x128xi32>
    %eq3A = vector.broadcast %broadcast_in_dim3A : vector<2048x1xi32> to vector<2048x128xi32>
    %eq3A_4 = arith.cmpi eq, %eq3A, %iota3A : vector<2048x128xi32>
    %convert_element_type3A = arith.extui %eq3A_4 : vector<2048x128xi1> to vector<2048x128xi32>
    %convert_element_type3A_5 = arith.sitofp %convert_element_type3A : vector<2048x128xi32> to vector<2048x128xf32>
    %get3A_6 = arith.constant 0 : index
    %get3A_7 = arith.constant 0 : index
    %get3A_8 = vector.load %arg2[%get3A_6, %get3A_7] : memref<128x768xf32, #tpu.memory_space<vmem>>, vector<128x768xf32>
    %dot_general3A = arith.constant dense<0.000000e+00> : vector<2048x768xf32>
    %dot_general3A_9 = tpu.matmul %convert_element_type3A_5, %get3A_8, %dot_general3A {dimension_numbers = #tpu.dot_dimension_numbers<[1], [0], [0], [1], [0, 0, 1, 1], [], []>, transpose_lhs_hint = false} : vector<2048x128xf32>, vector<128x768xf32>, vector<2048x768xf32> -> vector<2048x768xf32>
    %swap3A = arith.constant 0 : index
    %swap3A_10 = arith.constant 0 : index
    %swap3A_11 = vector.load %arg3[%swap3A, %swap3A_10] : memref<2048x768xf32, #tpu.memory_space<vmem>>, vector<2048x768xf32>
    tpu.vector_store %arg3[%swap3A, %swap3A_10], %dot_general3A_9 {strides = array<i32>} : memref<2048x768xf32, #tpu.memory_space<vmem>>, vector<2048x768xf32>,
    return
  }
  func.func @transform_0(%arg0: i32) -> (i32, i32, i32) {
    %c0_i32 = arith.constant 0 : i32
    %c0_i32_0 = arith.constant 0 : i32
    %c0_i32_1 = arith.constant 0 : i32
    return %arg0, %c0_i32, %c0_i32_0 : i32, i32, i32
  }
  func.func @transform_1(%arg0: i32) -> (i32, i32) {
    %c0_i32 = arith.constant 0 : i32
    %c0_i32_0 = arith.constant 0 : i32
    %c0_i32_1 = arith.constant 0 : i32
    return %c0_i32, %c0_i32_0 : i32, i32
  }
  func.func @transform_2(%arg0: i32) -> (i32, i32) {
    %c0_i32 = arith.constant 0 : i32
    %c0_i32_0 = arith.constant 0 : i32
    return %arg0, %c0_i32 : i32, i32
  }
}

</mosaic_0001>

<sc_bundles>
// kernel: kernel.4.cloned.1.call-start
scs
__scs_entry_jumppad:
0x0: {  	(pc) =	sbr.rel $0x88, $3  }
0x1: {  	(tag) =	ssettag $0x0;
	lr =	simm.s32 $0x1  }
0x2: {  	[smem:$0x3F9C] =	sst lr;
	_ =	strace $0xD0000000  }
0x3: {  	_ = 	snop  }
0x4: {  	_ = 	snop  }
0x5: {  	_ = 	snop  }
0x6: {  	_ = 	snop  }
0x7: {  	_ = 	snop  }
__scs_overlays_trampoline_lowered:
0x8: {  	[smem:$0x3FAB] =	sst s0  }
0x9: {  	[smem:$0x3FAC] =	sst s1  }
0xa: {  	[smem:$0x3FAD] =	sst s2  }
0xb: {  	[smem:$0x3FAE] =	sst s3  }
0xc: {  	[smem:$0x3FAF] =	sst s4  }
0xd: {  	[smem:$0x3FB0] =	sst s5  }
0xe: {  	[smem:$0x3FB1] =	sst s6  }
0xf: {  	[smem:$0x3FB2] =	sst s7  }
0x10: {  	[smem:$0x3FB3] =	sst s8  }
0x11: {  	[smem:$0x3FB4] =	sst s9;
	s0 =	simm.s32 @!p0 $0x0  }
0x12: {  	s1 =	sld [smem:$0x3F9A];
	s0 =	simm.s32 @p0 $0x1  }
0x13: {  	[smem:$0x3FB5] =	sst s0;
	s0 =	simm.s32 @!p1 $0x0  }
0x14: {  	s2 =	sld [smem:$0x3F99];
	s0 =	simm.s32 @p1 $0x1  }
0x15: {  	[smem:$0x3FB6] =	sst s0;
	s0 =	simm.s32 @!p2 $0x0  }
0x16: {  	s3 =	sld [smem:$0x3FDB];
	s0 =	simm.s32 @p2 $0x1  }
0x17: {  	s4 =	simm.s32 $0x1BF5;
	[smem:$0x3FB8] =	sst s0  }
0x18: {  	s0 =	sld [smem:$0x3F9B];
	_ =	swait.ge [sflag:s4], $0x0  }
0x19: {  	s7 =	sld [smem:$0x3F9C]  }
0x1a: {  	s8 =	sadd.s32 $0xFFFFE003, lr  }
0x1b: {  	s9 =	sadd.s32 $0xFFFFFEF7, lr;
	s5 =	simm.s32 $0xFFFFFFFF;
	p2 =	slt.u32 s8, $0xFFFFF086  }
0x1c: {  	p1 =	slt.u32 s9, $0xF7A;
	s5 =	simm.s32 @!p2 $0x0  }
0x1d: {  	s5 =	simm.s32 @p1 $0x1;
	p0 =	seq.s32 s7, s2  }
0x1e: {  	s7 =	smul.u32 @!p0 $0xF7A, s2;
	p2 =	seq.s32 @!p0 s5, $0x0  }
0x1f: {  	s9 =	smul.u32 $0xF7A, s1;
	s8 =	simm.s32 @!p0 $0x1BF5;
	p2 =	por !p2, p0  }
0x20: {  	[sflag:s8] =	ssyncset.s32 @!p0 $0xFFFFF086;
	s6 =	sadd.s32 @!p0 s3, s7;
	s7 =	simm.s32 @!p0 $0x108  }
0x21: {  	s3 =	sadd.s32 s3, s9;
	s6 =	sadd.s32 @!p0 $0x88, s6;
	s7 =	simm.s32 @p2 $0x1082  }
0x22: {  	[simem:s7], [sflag:s8] =	dma.local @!p0 [hbm:s6], $0xF7A  }
0x23: {  	s9 =	sor.u32 $0xD0000000, s2;
	s6 =	simm.s32 $0x108;
	_ =	swait.ge @!p0 [sflag:s8], $0x0  }
0x24: {  	s3 =	sadd.s32 $0x88, s3;
	s6 =	simm.s32 @!p1 $0x1082;
	[sflag:s4] =	ssyncset.s32 $0xFFFFF086  }
0x25: {  	[simem:s6], [sflag:s4] =	dma.local [hbm:s3], $0xF7A  }
0x26: {  	[smem:$0x3F9C] =	sst s1;
	(tag) =	ssettag s2;
	_ =	strace s9  }
0x27: {  	s1 =	sld [smem:$0x3FAC]  }
0x28: {  	s2 =	sld [smem:$0x3FAD]  }
0x29: {  	s4 =	sld [smem:$0x3FAF]  }
0x2a: {  	p0 =	seq.s32 s5, $0x0;
	s5 =	sld [smem:$0x3FB0]  }
0x2b: {  	s6 =	sld [smem:$0x3FB1]  }
0x2c: {  	s7 =	sld [smem:$0x3FB2]  }
0x2d: {  	s3 =	simm.s32 $0x108;
	s8 =	sld [smem:$0x3FB3]  }
0x2e: {  	s3 =	simm.s32 @!p0 $0x1082;
	s9 =	sld [smem:$0x3FB4]  }
0x2f: {  	lr =	sadd.s32 s0, s3;
	s0 =	sld [smem:$0x3FAB]  }
0x30: {  	s3 =	sld [smem:$0x3FAE]  }
0x31: {  	[smem:$0x3FB7] =	sst s10  }
0x32: {  	s10 =	sld [smem:$0x3FB5];
	_ =	sdelay $0x3  }
0x33: {  	p0 =	seq.s32 s10, $0x1;
	s10 =	sld [smem:$0x3FB7];
	_ =	sdelay $0x3  }
0x34: {  	[smem:$0x3FB7] =	sst s10  }
0x35: {  	s10 =	sld [smem:$0x3FB6];
	_ =	sdelay $0x3  }
0x36: {  	p1 =	seq.s32 s10, $0x1;
	s10 =	sld [smem:$0x3FB7];
	_ =	sdelay $0x3  }
0x37: {  	[smem:$0x3FB7] =	sst s10  }
0x38: {  	s10 =	sld [smem:$0x3FB8]  }
0x39: {  	_ = 	snop;
	(pc) =	sbr.ind lr, $3  }
0x3a: {  	_ = 	snop  }
0x3b: {  	_ = 	snop  }
0x3c: {  	p2 =	seq.s32 s10, $0x1;
	s10 =	sld [smem:$0x3FB7]  }
0x3d: {  	_ =	shalt  }
0x3e: {  	_ =	shalt  }
0x3f: {  	_ =	shalt  }
0x40: {  	_ =	shalt  }
0x41: {  	_ =	shalt  }
0x42: {  	_ =	shalt  }
0x43: {  	_ =	shalt  }
0x44: {  	_ =	shalt  }
0x45: {  	_ =	shalt  }
0x46: {  	_ =	shalt  }
0x47: {  	_ =	shalt  }
0x48: {  	_ =	shalt  }
0x49: {  	_ =	shalt  }
0x4a: {  	_ =	shalt  }
0x4b: {  	_ =	shalt  }
0x4c: {  	_ =	shalt  }
0x4d: {  	_ =	shalt  }
0x4e: {  	_ =	shalt  }
0x4f: {  	_ =	shalt  }
0x50: {  	_ =	shalt  }
0x51: {  	_ =	shalt  }
0x52: {  	_ =	shalt  }
0x53: {  	_ =	shalt  }
0x54: {  	_ =	shalt  }
0x55: {  	_ =	shalt  }
0x56: {  	_ =	shalt  }
0x57: {  	_ =	shalt  }
0x58: {  	_ =	shalt  }
0x59: {  	_ =	shalt  }
0x5a: {  	_ =	shalt  }
0x5b: {  	_ =	shalt  }
0x5c: {  	_ =	shalt  }
0x5d: {  	_ =	shalt  }
0x5e: {  	_ =	shalt  }
0x5f: {  	_ =	shalt  }
0x60: {  	_ =	shalt  }
0x61: {  	_ =	shalt  }
0x62: {  	_ =	shalt  }
0x63: {  	_ =	shalt  }
0x64: {  	_ =	shalt  }
0x65: {  	_ =	shalt  }
0x66: {  	_ =	shalt  }
0x67: {  	_ =	shalt  }
0x68: {  	_ =	shalt  }
0x69: {  	_ =	shalt  }
0x6a: {  	_ =	shalt  }
0x6b: {  	_ =	shalt  }
0x6c: {  	_ =	shalt  }
0x6d: {  	_ =	shalt  }
0x6e: {  	_ =	shalt  }
0x6f: {  	_ =	shalt  }
0x70: {  	_ =	shalt  }
0x71: {  	_ =	shalt  }
0x72: {  	_ =	shalt  }
0x73: {  	_ =	shalt  }
0x74: {  	_ =	shalt  }
0x75: {  	_ =	shalt  }
0x76: {  	_ =	shalt  }
0x77: {  	_ =	shalt  }
0x78: {  	_ =	shalt  }
0x79: {  	_ =	shalt  }
0x7a: {  	_ =	shalt  }
0x7b: {  	_ =	shalt  }
0x7c: {  	_ =	shalt  }
0x7d: {  	_ =	shalt  }
0x7e: {  	_ =	shalt  }
0x7f: {  	_ =	shalt  }
0x80: {  	_ =	shalt  }
0x81: {  	_ =	shalt  }
0x82: {  	_ =	shalt  }
0x83: {  	_ =	shalt  }
0x84: {  	_ =	shalt  }
0x85: {  	_ =	shalt  }
0x86: {  	_ =	shalt  }
0x87: {  	_ =	shalt  }
.Lfunc_end0:
.L_simem_size_0:
called_computation_lowered:
.L_overlay_start_0:
0x88: {  	s2 =	sld [smem:$0x3FD9]  }
0x89: {  	s3 =	sld [smem:$0x3FFE];
	_ =	sdelay $0x1  }
0x8a: {  	s1 =	srdreg.scid  }
0x8b: {  	s0 =	sand.u32 $0x1, s1  }
0x8c: {  	s17 =	sshll.u32 s0, $0xA;
	s2 =	sadd.s32 s3, s2  }
0x8d: {  	s2 =	sadd.s32 s2, s17  }
0x8e: {  	[smem:$0x3FC3] =	sst s2  }
0x8f: {  	_ = 	snop  }
0x90: {  	s2 =	sld [smem:$0x3FD0];
	(tm) =	ssettm $0x1  }
0x91: {  	s18 =	sld [smem:$0x3FFB];
	_ =	sdelay $0x3  }
0x92: {  	_ =	strace s18  }
0x93: {  	s3 =	sld [smem:$0x3FFC];
	_ =	sdelay $0x3  }
0x94: {  	_ =	strace s3  }
0x95: {  	s3 =	sld [smem:$0x3FFD];
	_ =	sdelay $0x3  }
0x96: {  	_ =	strace s3  }
0x97: {  	_ =	strace $0x8FFFFFFF  }
0x98: {  	s19 =	sld [smem:$0x3FDB];
	_ =	sdelay $0x1  }
0x99: {  	s4 =	simm.s32 $_scs_section_size  }
0x9a: {  	s5 =	simm.s32 $_size__tile_overlayer_lowered;
	s6 =	simm.s32 $_tile_overlayer_lowered  }
0x9b: {  	s22 =	simm.s32 $0x1BFF;
	s21 =	sshll.u32 s6, $0x1;
	s3 =	sadd.s32 s4, s19  }
0x9c: {  	s7 =	simm.s32 $0x0;
	s20 =	sshll.u32 s5, $0x1;
	s5 =	sadd.s32 s21, s3  }
0x9d: {  	[timem:s7], [sflag:s22] =	dma.local [hbm:s5], s20  }
0x9e: {  	_ =	swait.ge [sflag:s22], s20  }
0x9f: {  	s4 =	ssub.s32 $0x0, s20;
	[sflag:s22] =	ssyncset.done $0x0  }
0xa0: {  	[sflag:s22] =	ssyncadd.s32 s4;
	_ =	sdelay $0x1  }
0xa1: {  	s23 =	simm.s32 $0x1B8B  }
0xa2: {  	_ =	swait.ge [sflag:s23], $0x1  }
0xa3: {  	[sflag:s23] =	ssyncset.done $0x0  }
0xa4: {  	s25 =	simm.s32 $0x1B8E;
	s24 =	sld [smem:$0x3FFE];
	[sflag:s23] =	ssyncadd.s32 $0xFFFFFFFF  }
0xa5: {  	s26 =	simm.s32 $execute0_lowered;
	[smem:$0x3FD2] =	sst s25  }
0xa6: {  	s5 =	sshll.u32 s26, $0x1;
	_ =	strace $0x80000046;
	[dreg:$0x1] =	wrdreg $0xFFFFFFFF  }
0xa7: {  	s28 =	simm.s32 $_size_execute0_lowered;
	s3 =	sadd.s32 s3, s5;
	[dreg:$0x0] =	wrdreg $0x0  }
0xa8: {  	s5 =	sshll.u32 s28, $0x1;
	[dreg:$0x2] =	wrdreg s3  }
0xa9: {  	[dreg:$0x3] =	wrdreg s5  }
0xaa: {  	[dreg:$0x4] =	wrdreg $0xC0  }
0xab: {  	_ =	task [dreg:s7], $0x5FFFF  }
0xac: {  	[dreg:$0x1] =	wrdreg $0xFFFFFFFF  }
0xad: {  	[dreg:$0x0] =	wrdreg $0x60  }
0xae: {  	[dreg:$0x2] =	wrdreg s24  }
0xaf: {  	[dreg:$0x3] =	wrdreg s2  }
0xb0: {  	[dreg:$0x4] =	wrdreg $0x9  }
0xb1: {  	_ =	task.clear_ibuf [dreg:s7], $0x5FFFF;
	_ =	strace $0x90000046  }
0xb2: {  	s29 =	simm.s32 $0x9;
	_ =	strace $0x80000048  }
0xb3: {  	_ =	swait.ge [sflag:s29], $0x1  }
0xb4: {  	[sflag:s29] =	ssyncadd.s32 $0xFFFFFFFF  }
0xb5: {  	_ =	strace $0x90000048  }
0xb6: {  	_ =	sfence  }
0xb7: {  	s30 =	sld [smem:$0x0];
	_ =	sdelay $0x2  }
0xb8: {  	s31 =	sshll.u32 s1, $0xD;
	s1 =	sshrl.u32 s1, $0x2  }
0xb9: {  	s3 =	sand.u32 $0x4000, s31;
	s1 =	sadd.s32 s1, s30  }
0xba: {  	s0 =	sor.u32 s3, s0;
	s1 =	sshll.u32 s1, $0x11  }
0xbb: {  	s0 =	sor.u32 s1, s0  }
0xbc: {  	s0 =	sadd.s32 $0x8F2B, s0  }
0xbd: {  	[sflag:s0] =	ssyncadd.remote.s32 $0x1  }
0xbe: {  	_ =	sfence.sel $0xFFFF  }
0xbf: {  	[dreg:$0x0] =	wrdreg $0xFFFFFFFF;
	(pc) =	sbr.abs _section_cstart, $3  }
0xc0: {  	[dreg:$0x1] =	wrdreg $0xFFFFFFFF  }
0xc1: {  	_ =	task.clear_ibuf [dreg:s7], $0x2FFFF;
	_ =	strace $0x9FFFFFFF  }
0xc2: {  	(tm) =	ssettm $0x7FFFFFFF  }
0xc3: {  	_ =	shalt  }
tec
execute0_lowered:
.L_overlay_start_1:
0x0: {  	(tag) =	ssettag $0x1  }
0x1: {  	s0 =	rddreg [dreg:$0x0];
	s1 =	srdreg.scid  }
0x2: {  	s2 =	rddreg [dreg:$0x1];
	s3 =	stileid.u32  }
0x3: {  	s11 =	simm.s32 $0x1;
	s12 =	simm.s32 $0x80;
	s14 =	simm.s32 $0x1400  }
0x4: {  	s15 =	simm.s32 $0xC80;
	s16 =	simm.s32 $0x1480;
	s17 =	simm.s32 $0xD00  }
0x5: {  	s18 =	simm.s32 $0x1500;
	s19 =	simm.s32 $0xD80;
	s20 =	simm.s32 $0x1580  }
0x6: {  	s21 =	simm.s32 $0xE00;
	s22 =	simm.s32 $0x1600;
	s23 =	simm.s32 $0xE80  }
0x7: {  	s24 =	simm.s32 $0x1680;
	s25 =	simm.s32 $0xF00;
	s28 =	simm.s32 $0xF80  }
0x8: {  	s29 =	simm.s32 $0x1780;
	s30 =	simm.s32 $0x1800;
	s31 =	simm.s32 $0x2  }
0x9: {  	s1 =	sand.u32 $0x1, s1;
	s4 =	sshll.u32 s3, $0x8;
	s3 =	simm.s32 $0x0  }
0xa: {  	s5 =	sshll.u32 s1, $0x7;
	s1 =	ssub.s32 $0x2, s1;
	[smem:$0x7FF] =	sst s3  }
0xb: {  	s4 =	sor.u32 s5, s4;
	s26 =	sshrl.u32 s1, $0x1;
	_ =	strace $0x80000047  }
0xc: {  	s0 =	sadd.s32 s4, s0;
	s1 =	ssub.s32 s1, s26;
	s26 =	simm.s32 $0x1700  }
0xd: {  	s4 =	sadd.s32 $0xE00, s0;
	s5 =	sadd.s32 $0x1E00, s0;
	s6 =	sadd.s32 $0x2E00, s0  }
0xe: {  	v0 =	vimm.s32 $0x0;
	s7 =	sadd.s32 $0x3E00, s0;
	s8 =	smax.u32 s1, $0x1;
	s0 =	simm.s32 $0x0  }
.LBB2_1:
0xf: {  	[tilespmem:s3], [sflag:$0x1] =	stream.linear.gather [hbm4b:s4+s3], $0x400, $0x38;
	[tilespmem:$0x1C00] =	vst v63  }
0x10: {  	s1 =	simm.s32 $0x400  }
0x11: {  	[tilespmem:s1], [sflag:$0x1] =	stream.linear.gather [hbm4b:s5+s3], $0x400, $0x38;
	[tilespmem:$0x1C00] =	vst v63  }
0x12: {  	s13 =	simm.s32 $0x800  }
0x13: {  	[tilespmem:s13], [sflag:$0x1] =	stream.linear.gather [hbm4b:s6+s3], $0x400, $0x38;
	[tilespmem:$0x1C00] =	vst v63  }
0x14: {  	_ =	swait.ge [sflag:s11], $0x400  }
0x15: {  	[sflag:s11] =	ssyncset.done $0x0  }
0x16: {  	[sflag:s11] =	ssyncadd.s32 $0xFFFFFC00  }
0x17: {  	_ =	swait.ge [sflag:s11], $0x400  }
0x18: {  	[sflag:s11] =	ssyncset.done $0x0  }
0x19: {  	[sflag:s11] =	ssyncadd.s32 $0xFFFFFC00  }
0x1a: {  	_ =	swait.ge [sflag:s11], $0x400  }
0x1b: {  	[sflag:s11] =	ssyncset.done $0x0  }
0x1c: {  	s9 =	simm.s32 $0x0;
	[sflag:s11] =	ssyncadd.s32 $0xFFFFFC00  }
0x1d: {  	v1 =	vld [tilespmem:s9+$0x0]  }
0x1e: {  	v2 =	vld [tilespmem:s9+$0x400];
	_ =	sdelay $0x2  }
0x1f: {  	s1 =	simm.s32 $0x10;
	v3 =	vld [tilespmem:s9+$0x800]  }
0x20: {  	v4 =	vld [tilespmem:s1+$0x0]  }
0x21: {  	v1 =	vadd.f32 $1.258291200e+07, v1;
	v2 =	vadd.f32 $1.258291200e+07, v2  }
0x22: {  	v5 =	vld [tilespmem:s1+$0x400]  }
0x23: {  	v1 =	vadd.f32 $-1.258291200e+07, v1;
	v2 =	vadd.f32 $-1.258291200e+07, v2  }
0x24: {  	v3 =	vadd.f32 $1.258291200e+07, v3  }
0x25: {  	v4 =	vadd.f32 $1.258291200e+07, v4;
	v1 =	vtrunc.f32 v1;
	v2 =	vtrunc.f32 v2  }
0x26: {  	v3 =	vadd.f32 $-1.258291200e+07, v3;
	v1 =	vcvt.f32.s32 v1;
	v2 =	vcvt.f32.s32 v2  }
0x27: {  	v5 =	vadd.f32 $1.258291200e+07, v5;
	v4 =	vadd.f32 $-1.258291200e+07, v4  }
0x28: {  	v3 =	vtrunc.f32 v3;
	vm0 =	vgt.s32 v1, $0x0;
	vm1 =	vgt.s32 v2, $0x0  }
0x29: {  	v8 =	vld [tilespmem:s1+$0x800];
	v3 =	vcvt.f32.s32 v3;
	v6 =	vnsel vm0, $0x0, v1;
	v7 =	vnsel vm1, $0x0, v2  }
0x2a: {  	vm0 =	vlt.u32 v1, $0x5B;
	v1 =	vmin.u32 v6, $0x5A;
	v6 =	vmin.u32 v7, $0x6C  }
0x2b: {  	vm1 =	vgt.s32 v3, $0x0;
	v1 =	vmul.u32 $0x26BF, v1;
	v6 =	vmul.u32 $0x5B, v6  }
0x2c: {  	v5 =	vadd.f32 $-1.258291200e+07, v5;
	v7 =	vnsel vm1, $0x0, v3;
	vm1 =	vlt.u32 v2, $0x6D  }
0x2d: {  	v2 =	vmin.u32 v7, $0x5A;
	vm0 =	vmand vm0, vm1;
	v1 =	vadd.s32 v1, v6  }
0x2e: {  	vm1 =	vlt.u32 v3, $0x5B;
	v6 =	vadd.f32 $1.258291200e+07, v8;
	v1 =	vadd.s32 v2, v1  }
0x2f: {  	s10 =	simm.s32 $0x20;
	v5 =	vtrunc.f32 v5;
	vm0 =	vmand vm0, vm1;
	[tilespmem:s9+$0xC00] =	vst v1;
	v1 =	vtrunc.f32 v4  }
0x30: {  	s13 =	simm.s32 $0xC0;
	v4 =	vadd.f32 $-1.258291200e+07, v6;
	v2 =	vld [tilespmem:s10+$0x0];
	v3 =	vcvt.f32.s32 v1;
	v1 =	vcvt.f32.s32 v5  }
.LBB2_2:
0x31: {  	p0 =	sne.s32 s13, $0xFC0;
	v5 =	vld [tilespmem:s10+$0x400];
	v6 =	vsel vm0, $0x1, v0  }
0x32: {  	v4 =	vtrunc.f32 v4;
	vm0 =	vgt.s32 v3, $0x0;
	vm1 =	vgt.s32 v1, $0x0;
	[tilespmem:s9+$0x1000] =	vst v6;
	s9 =	smov.u32 s1;
	s1 =	smov.u32 s10  }
0x33: {  	v4 =	vcvt.f32.s32 v4;
	v6 =	vnsel vm0, $0x0, v3;
	v7 =	vnsel vm1, $0x0, v1  }
0x34: {  	vm0 =	vlt.u32 v3, $0x5B;
	v8 =	vld [tilespmem:s1+$0x800];
	v3 =	vmin.u32 v6, $0x5A;
	v6 =	vmin.u32 v7, $0x6C  }
0x35: {  	vm1 =	vgt.s32 v4, $0x0;
	v3 =	vmul.u32 $0x26BF, v3;
	v6 =	vmul.u32 $0x5B, v6  }
0x36: {  	v2 =	vadd.f32 $1.258291200e+07, v2;
	v5 =	vadd.f32 $1.258291200e+07, v5;
	v7 =	vnsel vm1, $0x0, v4  }
.Ltmp0:
0x37: {  	vm1 =	vlt.u32 v1, $0x6D;
	v1 =	vmin.u32 v7, $0x5A;
	v3 =	vadd.s32 v3, v6;
	(pc) =	sbr.rel @p0 .LBB2_2-.Ltmp0, $4  }
0x38: {  	v2 =	vadd.f32 $-1.258291200e+07, v2;
	v5 =	vadd.f32 $-1.258291200e+07, v5;
	v1 =	vadd.s32 v1, v3  }
0x39: {  	vm0 =	vmand vm0, vm1;
	vm1 =	vlt.u32 v4, $0x5B;
	v3 =	vadd.f32 $1.258291200e+07, v8;
	[tilespmem:s9+$0xC00] =	vst v1  }
0x3a: {  	s10 =	sshra.s32 s13, $0x2;
	vm0 =	vmand vm0, vm1;
	v1 =	vtrunc.f32 v2;
	v5 =	vtrunc.f32 v5  }
0x3b: {  	s13 =	sadd.s32 $0x40, s13;
	v2 =	vld [tilespmem:s10+$0x0];
	v4 =	vadd.f32 $-1.258291200e+07, v3;
	v3 =	vcvt.f32.s32 v1;
	v1 =	vcvt.f32.s32 v5  }
0x3c: {  	v5 =	vld [tilespmem:s10+$0x400];
	v6 =	vsel vm0, $0x1, v0  }
0x3d: {  	v4 =	vtrunc.f32 v4;
	[tilespmem:s9+$0x1000] =	vst v6  }
0x3e: {  	vm15 =	vgt.s32 v3, $0x0;
	vm1 =	vgt.s32 v1, $0x0;
	vm4 =	vlt.u32 v3, $0x5B;
	v6 =	vld [tilespmem:s10+$0x800]  }
0x3f: {  	vm6 =	vlt.u32 v1, $0x6D;
	v4 =	vcvt.f32.s32 v4;
	v7 =	vnsel vm15, $0x0, v3  }
0x40: {  	v8 =	vnsel vm1, $0x0, v1;
	vm0 =	vmand vm4, vm6;
	v2 =	vadd.f32 $1.258291200e+07, v2  }
0x41: {  	v3 =	vmin.u32 v7, $0x5A;
	v58 =	vmin.u32 v8, $0x6C;
	v5 =	vadd.f32 $1.258291200e+07, v5  }
0x42: {  	vm5 =	vgt.s32 v4, $0x0;
	v3 =	vmul.u32 $0x26BF, v3;
	v2 =	vadd.f32 $-1.258291200e+07, v2  }
0x43: {  	v59 =	vnsel vm5, $0x0, v4;
	v1 =	vadd.f32 $-1.258291200e+07, v5;
	v5 =	vadd.f32 $1.258291200e+07, v6  }
0x44: {  	v7 =	vmul.u32 $0x5B, v58;
	vm7 =	vlt.u32 v4, $0x5B;
	v60 =	vmin.u32 v59, $0x5A  }
0x45: {  	v2 =	vtrunc.f32 v2;
	v1 =	vtrunc.f32 v1;
	v4 =	vadd.f32 $-1.258291200e+07, v5  }
0x46: {  	v3 =	vadd.s32 v3, v7;
	v2 =	vcvt.f32.s32 v2;
	v1 =	vcvt.f32.s32 v1  }
0x47: {  	vm0 =	vmand vm0, vm7;
	v3 =	vadd.s32 v60, v3;
	v4 =	vtrunc.f32 v4  }
0x48: {  	vm8 =	vgt.s32 v2, $0x0;
	vm11 =	vlt.u32 v2, $0x5B;
	vm9 =	vgt.s32 v1, $0x0  }
0x49: {  	v4 =	vcvt.f32.s32 v4;
	v61 =	vnsel vm8, $0x0, v2;
	v62 =	vnsel vm9, $0x0, v1  }
0x4a: {  	vm12 =	vlt.u32 v1, $0x6D;
	v6 =	vmin.u32 v61, $0x5A;
	v7 =	vmin.u32 v62, $0x6C  }
0x4b: {  	vm10 =	vgt.s32 v4, $0x0;
	v6 =	vmul.u32 $0x26BF, v6;
	v7 =	vmul.u32 $0x5B, v7  }
0x4c: {  	v5 =	vsel vm0, $0x1, v0;
	vm0 =	vmand vm11, vm12;
	v63 =	vnsel vm10, $0x0, v4  }
0x4d: {  	[tilespmem:s1+$0xC00] =	vst v3;
	vm13 =	vlt.u32 v4, $0x5B;
	v1 =	vmin.u32 v63, $0x5A;
	v2 =	vadd.s32 v6, v7  }
0x4e: {  	[tilespmem:s1+$0x1000] =	vst v5;
	vm0 =	vmand vm0, vm13;
	v1 =	vadd.s32 v1, v2  }
0x4f: {  	[tilespmem:s10+$0xC00] =	vst v1;
	v1 =	vsel vm0, $0x1, v0  }
0x50: {  	s13 =	simm.s32 $0xC00;
	[tilespmem:s10+$0x1000] =	vst v1  }
0x51: {  	[tilespmem:s14], [sflag:$0x1] =	stream.indirect.gather [hbm4b:s2+s12], $0x1, s13, s12, $0xb8;
	[tilespmem:$0x1C00] =	vst v63  }
0x52: {  	_ = 	snop  }
0x53: {  	[tilespmem:s16], [sflag:$0x1] =	stream.indirect.gather [hbm4b:s2+s12], $0x1, s15, s12, $0xb8;
	[tilespmem:$0x1C00] =	vst v63  }
0x54: {  	_ = 	snop  }
0x55: {  	[tilespmem:s18], [sflag:$0x1] =	stream.indirect.gather [hbm4b:s2+s12], $0x1, s17, s12, $0xb8;
	[tilespmem:$0x1C00] =	vst v63  }
0x56: {  	_ = 	snop  }
0x57: {  	[tilespmem:s20], [sflag:$0x1] =	stream.indirect.gather [hbm4b:s2+s12], $0x1, s19, s12, $0xb8;
	[tilespmem:$0x1C00] =	vst v63  }
0x58: {  	_ = 	snop  }
0x59: {  	[tilespmem:s22], [sflag:$0x1] =	stream.indirect.gather [hbm4b:s2+s12], $0x1, s21, s12, $0xb8;
	[tilespmem:$0x1C00] =	vst v63  }
0x5a: {  	_ = 	snop  }
0x5b: {  	[tilespmem:s24], [sflag:$0x1] =	stream.indirect.gather [hbm4b:s2+s12], $0x1, s23, s12, $0xb8;
	[tilespmem:$0x1C00] =	vst v63  }
0x5c: {  	_ = 	snop  }
0x5d: {  	[tilespmem:s26], [sflag:$0x1] =	stream.indirect.gather [hbm4b:s2+s12], $0x1, s25, s12, $0xb8;
	[tilespmem:$0x1C00] =	vst v63  }
0x5e: {  	_ = 	snop  }
0x5f: {  	[tilespmem:s29], [sflag:$0x1] =	stream.indirect.gather [hbm4b:s2+s12], $0x1, s28, s12, $0xb8;
	[tilespmem:$0x1C00] =	vst v63  }
0x60: {  	_ =	swait.ge [sflag:s11], $0x80  }
0x61: {  	[sflag:s11] =	ssyncset.done $0x0  }
0x62: {  	[sflag:s11] =	ssyncadd.s32 $0xFFFFFF80  }
0x63: {  	_ =	swait.ge [sflag:s11], $0x80  }
0x64: {  	[sflag:s11] =	ssyncset.done $0x0  }
0x65: {  	[sflag:s11] =	ssyncadd.s32 $0xFFFFFF80  }
0x66: {  	_ =	swait.ge [sflag:s11], $0x80  }
0x67: {  	[sflag:s11] =	ssyncset.done $0x0  }
0x68: {  	[sflag:s11] =	ssyncadd.s32 $0xFFFFFF80  }
0x69: {  	_ =	swait.ge [sflag:s11], $0x80  }
0x6a: {  	[sflag:s11] =	ssyncset.done $0x0  }
0x6b: {  	[sflag:s11] =	ssyncadd.s32 $0xFFFFFF80  }
0x6c: {  	_ =	swait.ge [sflag:s11], $0x80  }
0x6d: {  	[sflag:s11] =	ssyncset.done $0x0  }
0x6e: {  	[sflag:s11] =	ssyncadd.s32 $0xFFFFFF80  }
0x6f: {  	_ =	swait.ge [sflag:s11], $0x80  }
0x70: {  	[sflag:s11] =	ssyncset.done $0x0  }
0x71: {  	[sflag:s11] =	ssyncadd.s32 $0xFFFFFF80  }
0x72: {  	_ =	swait.ge [sflag:s11], $0x80  }
0x73: {  	[sflag:s11] =	ssyncset.done $0x0  }
0x74: {  	[sflag:s11] =	ssyncadd.s32 $0xFFFFFF80  }
0x75: {  	_ =	swait.ge [sflag:s11], $0x80  }
0x76: {  	[sflag:s11] =	ssyncset.done $0x0  }
0x77: {  	s1 =	simm.s32 $0x0;
	[sflag:s11] =	ssyncadd.s32 $0xFFFFFF80  }
0x78: {  	v1 =	vld [tilespmem:s1+$0x1400]  }
0x79: {  	v2 =	vld [tilespmem:s1+$0x1000];
	_ =	sdelay $0x3  }
0x7a: {  	s9 =	simm.s32 $0x10;
	v1 =	vtrunc.f32 v1  }
0x7b: {  	vm15 =	vgt.s32 v2, $0x0;
	v2 =	vld [tilespmem:s9+$0x1400];
	v3 =	vcvt.f32.s32 v1;
	_ =	sdelay $0x1  }
0x7c: {  	vm14 =	vlt.u32 v3, $0x75  }
0x7d: {  	v1 =	vld [tilespmem:s9+$0x1000];
	vm0 =	vmand vm14, vm15  }
0x7e: {  	s10 =	simm.s32 $0x80;
	v3 =	vnsel vm0, $0x0, v3  }
.LBB2_4:
0x7f: {  	s13 =	sshra.s32 s10, $0x2;
	p0 =	sne.s32 s10, $0xFC0;
	s10 =	sadd.s32 $0x40, s10;
	v4 =	vtrunc.f32 v2;
	[tilespmem:s1+$0x1800] =	vst v3  }
.Ltmp1:
0x80: {  	s1 =	smov.u32 s9;
	v2 =	vld [tilespmem:s13+$0x1400];
	v3 =	vcvt.f32.s32 v4;
	s9 =	smov.u32 s13;
	(pc) =	sbr.rel @p0 .LBB2_4-.Ltmp1, $4  }
0x81: {  	_ = 	snop  }
0x82: {  	vm0 =	vlt.u32 v3, $0x75;
	vm1 =	vgt.s32 v1, $0x0  }
0x83: {  	v1 =	vld [tilespmem:s9+$0x1000];
	vm0 =	vmand vm0, vm1  }
0x84: {  	v3 =	vnsel vm0, $0x0, v3  }
0x85: {  	v2 =	vtrunc.f32 v2  }
0x86: {  	v2 =	vcvt.f32.s32 v2;
	_ =	sdelay $0x1  }
0x87: {  	vm0 =	vlt.u32 v2, $0x75;
	vm1 =	vgt.s32 v1, $0x0  }
0x88: {  	s0 =	sadd.s32 $0x1, s0;
	vm0 =	vmand vm0, vm1  }
0x89: {  	[tilespmem:s1+$0x1800] =	vst v3;
	p0 =	sne.s32 s0, s8;
	v1 =	vnsel vm0, $0x0, v2  }
.Ltmp2:
0x8a: {  	[tilespmem:s9+$0x1800] =	vst v1;
	(pc) =	sbr.rel @p0 .LBB2_1-.Ltmp2, $4  }
0x8b: {  	[hbm4b:s7+s3] =	stream.linear.scatter [tilespmem:s30], [sflag:$0x2], $0x400, $0x38;
	[tilespmem:$0x1C00] =	vst v63  }
0x8c: {  	_ =	swait.ge [sflag:s31], $0x400  }
0x8d: {  	[sflag:s31] =	ssyncset.done $0x0  }
0x8e: {  	[sflag:s31] =	ssyncadd.s32 $0xFFFFFC00  }
0x8f: {  	_ =	sfence.sel $0x180000  }
0x90: {  	[bflag:$0x0] =	sbarrier.arrive $0xFFFF  }
0x91: {  	_ =	strace $0x90000047  }
0x92: {  	s0 =	stileid.u32;
	[bflag:$0x2] =	sbarrier.arrive $0xFFFF  }
0x93: {  	p0 =	sne.s32 s0, $0x0;
	s0 =	rddreg [dreg:$0x2]  }
0x94: {  	s0 =	sadd.s32 @!p0 $0x100000, s0  }
0x95: {  	[sflag:s0] =	ssyncadd.tile.s32 @!p0 $0x1;
	_ =	shalt  }
.Lfunc_end2:
_tile_overlayer_lowered:
.L_overlay_start_2:
0x96: {  	(tag) =	ssettag $0x2  }
0x97: {  	s0 =	rddreg [dreg:$0x0];
	s2 =	stileid.u32  }
0x98: {  	s1 =	rddreg [dreg:$0x1];
	p0 =	sne.s32 s2, $0x0  }
0x99: {  	s3 =	rddreg [dreg:$0x2];
	[bflag:$0x3] =	sbarrier.arrive $0xFFFF;
	s2 =	simm.s32 @!p0 $0x1C02  }
0x9a: {  	[timem:s3], [sflag:s2] =	dma.local @!p0 [hbm:s0], s1  }
0x9b: {  	s0 =	simm.s32 @!p0 $0x2  }
0x9c: {  	_ =	swait.ge @!p0 [sflag:s0], s1  }
0x9d: {  	s1 =	ssub.s32 @!p0 $0x0, s1;
	[sflag:s0] =	ssyncset.done @!p0 $0x0  }
0x9e: {  	[sflag:s0] =	ssyncadd.s32 @!p0 s1  }
0x9f: {  	[bflag:$0x3] =	sbarrier.arrive $0xFFFF  }
0xa0: {  	_ =	shalt  }

</sc_bundles>
